<compile_context>
chip_gen: v7x
topology: tpu7x:2x2x1
jax: 0.10.2.dev20260603
libtpu: 0.0.44.dev20260713+nightly
codegen_flags: <defaults>
</compile_context>

<pallas_src>
import functools

import jax
import jax.numpy as jnp
from jax import lax
from jax.experimental import pallas as pl
from jax.experimental.pallas import tpu as pltpu
from jax.experimental.pallas import tpu_sc as plsc

_N = 4096
_C = 1024
_F = 4096
_MBM = 16
_BM = 128
_MB = _N // _BM
_R = _BM // _MBM
_NMB = _N // _MBM
_K = 1024
_TB = 256
_NT = _N // _TB

_INTERPRET = False


def _stage_a_kernel(x_ref, b1_ref, w1_hbm, bmc_hbm, mdiff_ref,
                    bm_ref, w1_ref, bmc_ref, sem_w1, sem_bmc):
    i = pl.program_id(0)

    @pl.when(i == 0)
    def _start_dma():
        pltpu.make_async_copy(w1_hbm, w1_ref, sem_w1).start()
        pltpu.make_async_copy(bmc_hbm, bmc_ref, sem_bmc).start()

    @pl.when(i < _NT)
    def _phase1():
        bm_ref[pl.ds(_MBM * i, _MBM), :] = (
            x_ref[...].reshape(_MBM, _MBM, _C).mean(axis=1))

    @pl.when(i == _NT)
    def _mdiff():
        pltpu.make_async_copy(w1_hbm, w1_ref, sem_w1).wait()
        pltpu.make_async_copy(bmc_hbm, bmc_ref, sem_bmc).wait()
        t = jax.lax.dot_general(bm_ref[...], w1_ref[...],
                                (((1,), (1,)), ((), ())),
                                preferred_element_type=jnp.float32)
        t = t + b1_ref[...]
        md = jnp.abs(t - bmc_ref[...])
        mdiff_ref[...] = md.reshape(_MB, _R, _F).sum(axis=1)


def _sc_thresholds(mdiff):
    mesh = plsc.VectorSubcoreMesh(core_axis_name="c", subcore_axis_name="s")

    @functools.partial(
        pl.kernel, mesh=mesh,
        out_type=jax.ShapeDtypeStruct((_MB, 16), jnp.int32),
        scratch_types=[
            pltpu.VMEM((_F,), jnp.int32),
            pltpu.VMEM((16,), jnp.int32),
            pltpu.VMEM((48,), jnp.float32),
        ],
    )
    def body(mdiff_hbm, thr_hbm, row_v, thr_v, tsum_v):
        wid = lax.axis_index("s") * 2 + lax.axis_index("c")
        pltpu.sync_copy(mdiff_hbm.at[wid], row_v)
        ones = jnp.ones((16,), jnp.float32)
        zeros = jnp.zeros((16,), jnp.float32)
        kf = jnp.full((16,), float(_K), jnp.float32)
        lanes = lax.iota(jnp.int32, 16)
        tsum_v[pl.ds(0, 16)] = zeros
        tsum_v[pl.ds(32, 16)] = zeros

        def it(_, carry):
            lo, hi = carry
            mid = lo + lax.shift_right_logical(hi - lo, 1)

            def chunk(c, acc):
                v = row_v[pl.ds(c * 16, 16)]
                return acc + jnp.where(v >= mid, ones, zeros)

            tot = lax.fori_loop(0, _F // 16, chunk, zeros)
            for sh in (8, 4, 2, 1):
                tsum_v[pl.ds(16, 16)] = tot
                wp = tsum_v[pl.ds(16 + sh, 16)]
                wm = tsum_v[pl.ds(16 - sh, 16)]
                take_m = jnp.bitwise_and(lanes, sh) != 0
                tot = tot + jnp.where(take_m, wm, wp)
            gev = tot >= kf
            return jnp.where(gev, mid, lo), jnp.where(gev, hi, mid)

        lo0 = jnp.zeros((16,), jnp.int32)
        hi0 = jnp.full((16,), 0x7F800000, jnp.int32)
        lo, _hi = lax.fori_loop(0, 31, it, (lo0, hi0))
        thr_v[...] = lo
        pltpu.sync_copy(thr_v, thr_hbm.at[wid])

    return body(mdiff)


def _stage_b_kernel(x_ref, b1_ref, pa_ref, mdiff_ref, thr_ref, w2_hbm,
                    w1_hbm, oc_ref, out_ref, w1_ref, w2_ref, sem_w1, sem_w2):
    m = pl.program_id(0)

    @pl.when(m == 0)
    def _start_dma():
        pltpu.make_async_copy(w1_hbm, w1_ref, sem_w1).start()
        pltpu.make_async_copy(w2_hbm, w2_ref, sem_w2).start()
        pltpu.make_async_copy(w1_hbm, w1_ref, sem_w1).wait()

    mid = jax.lax.dot_general(x_ref[...], w1_ref[...],
                              (((1,), (1,)), ((), ())),
                              preferred_element_type=jnp.float32)
    mid = mid + b1_ref[...]
    act = jax.nn.gelu(mid)

    @pl.when(m == 0)
    def _wait_w2():
        pltpu.make_async_copy(w2_hbm, w2_ref, sem_w2).wait()
    bits0 = jax.lax.bitcast_convert_type(mdiff_ref[pl.ds(2 * m, 1), :],
                                           jnp.int32)
    bits1 = jax.lax.bitcast_convert_type(mdiff_ref[pl.ds(2 * m + 1, 1), :],
                                         jnp.int32)
    m0 = (bits0 >= thr_ref[pl.ds(2 * m, 1), pl.ds(0, 1)]).astype(jnp.float32)
    m1 = (bits1
          >= thr_ref[pl.ds(2 * m + 1, 1), pl.ds(0, 1)]).astype(jnp.float32)
    condf = (jax.lax.broadcasted_iota(jnp.int32, (_TB, 1), 0)
             < _BM).astype(jnp.float32)
    mask = m0 * condf + m1 * (1.0 - condf)
    delta = (act - pa_ref[...]) * mask
    part = jax.lax.dot_general(delta, w2_ref[...],
                               (((1,), (1,)), ((), ())),
                               preferred_element_type=jnp.float32)
    out_ref[...] = oc_ref[...] + part


def kernel(x, W1, b1, W2, b2, blockmean_mid_cache, pa_cache, out_cache):
    x2 = x.reshape(_N, _C)
    bmc = blockmean_mid_cache.reshape(_NMB, _F)
    b1r = b1.reshape(1, _F)
    pa2 = pa_cache.reshape(_N, _F)
    oc2 = out_cache.reshape(_N, _C)

    mdiff = pl.pallas_call(
        _stage_a_kernel,
        grid=(_NT + 1,),
        in_specs=[
            pl.BlockSpec((_TB, _C), lambda i: (jnp.minimum(i, _NT - 1), 0)),
            pl.BlockSpec((1, _F), lambda i: (0, 0)),
            pl.BlockSpec(memory_space=pl.ANY),
            pl.BlockSpec(memory_space=pl.ANY),
        ],
        out_specs=pl.BlockSpec((_MB, _F), lambda i: (0, 0)),
        out_shape=jax.ShapeDtypeStruct((_MB, _F), jnp.float32),
        scratch_shapes=[
            pltpu.VMEM((_NMB, _C), jnp.float32),
            pltpu.VMEM((_F, _C), jnp.float32),
            pltpu.VMEM((_NMB, _F), jnp.float32),
            pltpu.SemaphoreType.DMA,
            pltpu.SemaphoreType.DMA,
        ],
        compiler_params=pltpu.CompilerParams(
            dimension_semantics=("arbitrary",)),
        interpret=_INTERPRET,
    )(x2, b1r, W1, bmc)

    thr = _sc_thresholds(jax.lax.bitcast_convert_type(mdiff, jnp.int32))

    out = pl.pallas_call(
        _stage_b_kernel,
        grid=(_NT,),
        in_specs=[
            pl.BlockSpec((_TB, _C), lambda m: (m, 0)),
            pl.BlockSpec((1, _F), lambda m: (0, 0)),
            pl.BlockSpec((_TB, _F), lambda m: (m, 0)),
            pl.BlockSpec((_MB, _F), lambda m: (0, 0)),
            pl.BlockSpec((_MB, 16), lambda m: (0, 0)),
            pl.BlockSpec(memory_space=pl.ANY),
            pl.BlockSpec(memory_space=pl.ANY),
            pl.BlockSpec((_TB, _C), lambda m: (m, 0)),
        ],
        out_specs=pl.BlockSpec((_TB, _C), lambda m: (m, 0)),
        out_shape=jax.ShapeDtypeStruct((_N, _C), jnp.float32),
        scratch_shapes=[
            pltpu.VMEM((_F, _C), jnp.float32),
            pltpu.VMEM((_C, _F), jnp.float32),
            pltpu.SemaphoreType.DMA,
            pltpu.SemaphoreType.DMA,
        ],
        compiler_params=pltpu.CompilerParams(
            dimension_semantics=("arbitrary",),
            vmem_limit_bytes=100 * 1024 * 1024),
        interpret=_INTERPRET,
    )(x2, b1r, pa2, mdiff, thr, W2, W1, oc2)

    return out.reshape(1, _N, _C)

# --- scband reference (transcript-rebuilt; emitter-appended) ---
"""Pipeline reference for scband-sparse-diff-mlp-66752381714947 (READ-ONLY COPY).

The authoritative reference and input builder live on the scoring server;
editing this copy changes nothing except your own understanding.
"""

import jax, jax.numpy as jnp
import numpy as np

MBM = 16
BM = 128
TOP_K = 1024  # = top_keys(0.25) * d_ff(4096), multiple of counts_multiple_of


def block_mean(x, mbm):
    b, n, c = x.shape
    return x.reshape(b, n // mbm, mbm, c).mean(axis=2)


def setup_inputs(seed: int = 0):
    key = jax.random.key(seed)
    ks = jax.random.split(key, 8)
    B, N, C, F = 1, 4096, 1024, 4096
    x = jax.random.normal(ks[0], (B, N, C), dtype=jnp.float32)
    # fc1: Linear(C -> F), fc2: Linear(F -> C)
    W1 = jax.random.normal(ks[1], (F, C), dtype=jnp.float32) * 0.02
    b1 = jax.random.normal(ks[2], (F,), dtype=jnp.float32) * 0.02
    W2 = jax.random.normal(ks[3], (C, F), dtype=jnp.float32) * 0.02
    b2 = jax.random.normal(ks[4], (C,), dtype=jnp.float32) * 0.02
    # caches written by the last full MLP step (storage state)
    blockmean_mid_cache = jax.random.normal(ks[5], (B, N // MBM, F), dtype=jnp.float32) * 0.02
    pa_cache = jax.nn.gelu(jax.random.normal(ks[6], (B, N, F), dtype=jnp.float32))  # cached post-activation (sparse_act_T untransposed)
    out_cache = jax.random.normal(ks[7], (B, N, C), dtype=jnp.float32) * 0.02
    return {"x": x, "W1": W1, "b1": b1, "W2": W2, "b2": b2,
            "blockmean_mid_cache": blockmean_mid_cache,
            "pa_cache": pa_cache, "out_cache": out_cache}


def reference(x, W1, b1, W2, b2, blockmean_mid_cache, pa_cache, out_cache):
    # Sparse-diff MLP step (recompute branch): block-mean mid diff -> per-block
    # top-k feature indices -> sparse delta MLP scatter-added onto cached output.
    B, N, C = x.shape
    F = W1.shape[0]
    r = BM // MBM
    mb = N // BM
    # fc1 on minor-block means
    bmfc1 = block_mean(x, MBM) @ W1.T + b1                      # [B, N/MBM, F]
    mdiff = jnp.abs(bmfc1 - blockmean_mid_cache)                # [B, N/MBM, F]
    # rearrange 'b (mb r) f -> b r mb f' then sum over r
    mdiff = mdiff.reshape(B, mb, r, F).sum(axis=2)              # [B, mb, F]
    # chipmunk.ops.topk_indices: keep top (1 - sparsity) fraction of features per block
    _, inds = jax.lax.top_k(mdiff, TOP_K)                       # [B, mb, k]
    inds = inds[0]                                              # [mb, k]
    # chipmunk.ops.mlp: sparse fc1 -> activation -> delta vs cached act -> sparse fc2
    xb = x[0].reshape(mb, BM, C)                                # [mb, BM, C]
    W1g = jnp.take(W1, inds, axis=0)                            # gather [mb, k, C]
    b1g = jnp.take(b1, inds, axis=0)                            # [mb, k]
    mid = jnp.einsum('mtc,mkc->mtk', xb, W1g) + b1g[:, None, :] # [mb, BM, k]
    act = jax.nn.gelu(mid)
    pa_b = pa_cache[0].reshape(mb, BM, F)
    idx_full = jnp.broadcast_to(inds[:, None, :], (mb, BM, TOP_K))
    cached_act = jnp.take_along_axis(pa_b, idx_full, axis=2)    # [mb, BM, k]
    delta = act - cached_act
    W2g = jnp.take(W2, inds, axis=1)                            # [C, mb, k]
    out_delta = jnp.einsum('mtk,cmk->mtc', delta, W2g)          # scatter-add delta
    out = out_cache[0].reshape(mb, BM, C) + out_delta
    return out.reshape(1, N, C)

if __name__ == "__main__":
    import jax
    _d = setup_inputs()
    print(jax.jit(kernel)(*tuple(_d.values())))

</pallas_src>

<mosaic_0001>
#map = affine_map<(d0, d1) -> (0, 0)>
module attributes {stable_mosaic.version = 14 : i64} {
  func.func @body(%arg0: i32, %arg1: i32, %arg2: memref<32x4096xi32, #tpu.memory_space<hbm>>, %arg3: memref<32x16xi32, #tpu.memory_space<hbm>>, %arg4: memref<4096xi32, #tpu.memory_space<vmem>>, %arg5: memref<16xi32, #tpu.memory_space<vmem>>, %arg6: memref<48xf32, #tpu.memory_space<vmem>>) attributes {dimension_semantics = [#tpu.dimension_semantics<core_parallel>, #tpu.dimension_semantics<subcore_parallel>], iteration_bounds = array<i64: 2, 16>, scalar_prefetch = 0 : i64, scratch_operands = 3 : i64, tpu.core_type = #tpu.core_type<sc_vector_subcore>, window_params = [{transform_indices = #map}, {transform_indices = #map}]} {
    %mul3A = arith.constant 2 : i32
    %mul3A_0 = arith.muli %arg1, %mul3A : i32
    %add3A = arith.addi %mul3A_0, %arg0 : i32
    "tpu.region"() ({
      %run_scoped3A = tpu.sem_alloc : memref<!tpu.dma_semaphore, #tpu.memory_space<semaphore_mem>>
      %dma_start3A = arith.constant 0 : i32
      %dma_start3A_26 = tpu.memref_slice %arg2[%add3A, %dma_start3A] : memref<32x4096xi32, #tpu.memory_space<hbm>> -> memref<1x4096xi32, #tpu.memory_space<hbm>>
      %dma_start3A_27 = tpu.memref_squeeze %dma_start3A_26 : memref<1x4096xi32, #tpu.memory_space<hbm>> -> memref<4096xi32, #tpu.memory_space<hbm>>
      %dma_start3A_28 = arith.constant 0 : i32
      %dma_start3A_29 = tpu.memref_slice %arg2[%add3A, %dma_start3A_28] : memref<32x4096xi32, #tpu.memory_space<hbm>> -> memref<1x4096xi32, #tpu.memory_space<hbm>>
      %dma_start3A_30 = tpu.memref_squeeze %dma_start3A_29 : memref<1x4096xi32, #tpu.memory_space<hbm>> -> memref<4096xi32, #tpu.memory_space<hbm>>
      tpu.enqueue_dma source(%dma_start3A_30 : memref<4096xi32, #tpu.memory_space<hbm>>) target(%arg4 : memref<4096xi32, #tpu.memory_space<vmem>>) target_semaphore(%run_scoped3A : memref<!tpu.dma_semaphore, #tpu.memory_space<semaphore_mem>>)
      %dma_wait3A = arith.constant 0 : i32
      %dma_wait3A_31 = tpu.memref_slice %arg2[%add3A, %dma_wait3A] : memref<32x4096xi32, #tpu.memory_space<hbm>> -> memref<1x4096xi32, #tpu.memory_space<hbm>>
      %dma_wait3A_32 = tpu.memref_squeeze %dma_wait3A_31 : memref<1x4096xi32, #tpu.memory_space<hbm>> -> memref<4096xi32, #tpu.memory_space<hbm>>
      %dma_wait3A_33 = arith.constant 0 : i32
      %dma_wait3A_34 = tpu.memref_slice %arg2[%add3A, %dma_wait3A_33] : memref<32x4096xi32, #tpu.memory_space<hbm>> -> memref<1x4096xi32, #tpu.memory_space<hbm>>
      %dma_wait3A_35 = tpu.memref_squeeze %dma_wait3A_34 : memref<1x4096xi32, #tpu.memory_space<hbm>> -> memref<4096xi32, #tpu.memory_space<hbm>>
      tpu.wait_dma2 semaphore(%run_scoped3A : memref<!tpu.dma_semaphore, #tpu.memory_space<semaphore_mem>>) src(%dma_wait3A_35 : memref<4096xi32, #tpu.memory_space<hbm>>) dst(%arg4 : memref<4096xi32, #tpu.memory_space<vmem>>)
      tpu.yield
    }) : () -> ()
    %broadcast_in_dim3A = arith.constant 1.000000e+00 : f32
    %broadcast_in_dim3A_1 = vector.broadcast %broadcast_in_dim3A : f32 to vector<16xf32>
    %broadcast_in_dim3A_2 = arith.constant 0.000000e+00 : f32
    %broadcast_in_dim3A_3 = vector.broadcast %broadcast_in_dim3A_2 : f32 to vector<16xf32>
    %broadcast_in_dim3A_4 = arith.constant 1.024000e+03 : f32
    %broadcast_in_dim3A_5 = vector.broadcast %broadcast_in_dim3A_4 : f32 to vector<16xf32>
    %iota3A = tpu.iota {dimensions = array<i32: 0>} : vector<16xi32>
    %swap3A = arith.constant 0 : index
    %swap3A_6 = tpu.vector_load %arg6[%swap3A] {strides = array<i32>} : memref<48xf32, #tpu.memory_space<vmem>>, vector<16xf32>,
    %swap3A_7 = vector.shape_cast %swap3A_6 : vector<16xf32> to vector<16xf32>
    %swap3A_8 = vector.shape_cast %broadcast_in_dim3A_3 : vector<16xf32> to vector<16xf32>
    tpu.vector_store %arg6[%swap3A], %swap3A_8 {strides = array<i32>} : memref<48xf32, #tpu.memory_space<vmem>>, vector<16xf32>,
    %swap3A_9 = arith.constant 32 : index
    %swap3A_10 = tpu.vector_load %arg6[%swap3A_9] {strides = array<i32>} : memref<48xf32, #tpu.memory_space<vmem>>, vector<16xf32>,
    %swap3A_11 = vector.shape_cast %swap3A_10 : vector<16xf32> to vector<16xf32>
    %swap3A_12 = vector.shape_cast %broadcast_in_dim3A_3 : vector<16xf32> to vector<16xf32>
    tpu.vector_store %arg6[%swap3A_9], %swap3A_12 {strides = array<i32>} : memref<48xf32, #tpu.memory_space<vmem>>, vector<16xf32>,
    %broadcast_in_dim3A_13 = arith.constant 0 : i32
    %broadcast_in_dim3A_14 = vector.broadcast %broadcast_in_dim3A_13 : i32 to vector<16xi32>
    %broadcast_in_dim3A_15 = arith.constant 2139095040 : i32
    %broadcast_in_dim3A_16 = vector.broadcast %broadcast_in_dim3A_15 : i32 to vector<16xi32>
    %scan3A = arith.constant 0 : i32
    %scan3A_17 = arith.constant 31 : i32
    %scan3A_18 = arith.addi %scan3A, %scan3A_17 : i32
    %scan3A_19 = arith.constant 1 : i32
    %scan3A_20:2 = scf.for %scan3A_26 = %scan3A to %scan3A_18 step %scan3A_19 iter_args(%scan3A_27 = %broadcast_in_dim3A_14, %scan3A_28 = %broadcast_in_dim3A_16) -> (vector<16xi32>, vector<16xi32>)  : i32 {
      %sub3A = arith.subi %scan3A_28, %scan3A_27 : vector<16xi32>
      %shift_right_logical3A = arith.constant 1 : i32
      %shift_right_logical3A_29 = vector.broadcast %shift_right_logical3A : i32 to vector<16xi32>
      %shift_right_logical3A_30 = arith.shrui %sub3A, %shift_right_logical3A_29 : vector<16xi32>
      %add3A_31 = arith.addi %scan3A_27, %shift_right_logical3A_30 : vector<16xi32>
      %scan3A_32 = arith.constant 0 : i32
      %scan3A_33 = arith.constant 256 : i32
      %scan3A_34 = arith.addi %scan3A_32, %scan3A_33 : i32
      %scan3A_35 = arith.constant 1 : i32
      %scan3A_36 = scf.for %scan3A_108 = %scan3A_32 to %scan3A_34 step %scan3A_35 iter_args(%scan3A_109 = %broadcast_in_dim3A_3) -> (vector<16xf32>)  : i32 {
        %mul3A_110 = arith.constant 16 : i32
        %mul3A_111 = arith.muli %scan3A_108, %mul3A_110 : i32
        %get3A_112 = arith.index_cast %mul3A_111 : i32 to index
        %get3A_113 = tpu.vector_load %arg4[%get3A_112] {strides = array<i32>} : memref<4096xi32, #tpu.memory_space<vmem>>, vector<16xi32>,
        %get3A_114 = vector.shape_cast %get3A_113 : vector<16xi32> to vector<16xi32>
        %ge3A_115 = arith.cmpi sge, %get3A_114, %add3A_31 : vector<16xi32>
        %select_n3A_116 = arith.select %ge3A_115, %broadcast_in_dim3A_1, %broadcast_in_dim3A_3 : vector<16xi1>, vector<16xf32>
        %add3A_117 = arith.addf %scan3A_109, %select_n3A_116 : vector<16xf32>
        scf.yield %add3A_117 : vector<16xf32>
      }
      %scan3A_37 = arith.constant 256 : i32
      %swap3A_38 = arith.constant 16 : index
      %swap3A_39 = tpu.vector_load %arg6[%swap3A_38] {strides = array<i32>} : memref<48xf32, #tpu.memory_space<vmem>>, vector<16xf32>,
      %swap3A_40 = vector.shape_cast %swap3A_39 : vector<16xf32> to vector<16xf32>
      %swap3A_41 = vector.shape_cast %scan3A_36 : vector<16xf32> to vector<16xf32>
      tpu.vector_store %arg6[%swap3A_38], %swap3A_41 {strides = array<i32>} : memref<48xf32, #tpu.memory_space<vmem>>, vector<16xf32>,
      %get3A = arith.constant 24 : index
      %get3A_42 = tpu.vector_load %arg6[%get3A] {strides = array<i32>} : memref<48xf32, #tpu.memory_space<vmem>>, vector<16xf32>,
      %get3A_43 = vector.shape_cast %get3A_42 : vector<16xf32> to vector<16xf32>
      %get3A_44 = arith.constant 8 : index
      %get3A_45 = tpu.vector_load %arg6[%get3A_44] {strides = array<i32>} : memref<48xf32, #tpu.memory_space<vmem>>, vector<16xf32>,
      %get3A_46 = vector.shape_cast %get3A_45 : vector<16xf32> to vector<16xf32>
      %and3A = arith.constant 8 : i32
      %and3A_47 = vector.broadcast %and3A : i32 to vector<16xi32>
      %and3A_48 = arith.andi %iota3A, %and3A_47 : vector<16xi32>
      %ne3A = arith.constant 0 : i32
      %ne3A_49 = vector.broadcast %ne3A : i32 to vector<16xi32>
      %ne3A_50 = arith.cmpi ne, %and3A_48, %ne3A_49 : vector<16xi32>
      %select_n3A = arith.select %ne3A_50, %get3A_46, %get3A_43 : vector<16xi1>, vector<16xf32>
      %add3A_51 = arith.addf %scan3A_36, %select_n3A : vector<16xf32>
      %swap3A_52 = arith.constant 16 : index
      %swap3A_53 = tpu.vector_load %arg6[%swap3A_52] {strides = array<i32>} : memref<48xf32, #tpu.memory_space<vmem>>, vector<16xf32>,
      %swap3A_54 = vector.shape_cast %swap3A_53 : vector<16xf32> to vector<16xf32>
      %swap3A_55 = vector.shape_cast %add3A_51 : vector<16xf32> to vector<16xf32>
      tpu.vector_store %arg6[%swap3A_52], %swap3A_55 {strides = array<i32>} : memref<48xf32, #tpu.memory_space<vmem>>, vector<16xf32>,
      %get3A_56 = arith.constant 20 : index
      %get3A_57 = tpu.vector_load %arg6[%get3A_56] {strides = array<i32>} : memref<48xf32, #tpu.memory_space<vmem>>, vector<16xf32>,
      %get3A_58 = vector.shape_cast %get3A_57 : vector<16xf32> to vector<16xf32>
      %get3A_59 = arith.constant 12 : index
      %get3A_60 = tpu.vector_load %arg6[%get3A_59] {strides = array<i32>} : memref<48xf32, #tpu.memory_space<vmem>>, vector<16xf32>,
      %get3A_61 = vector.shape_cast %get3A_60 : vector<16xf32> to vector<16xf32>
      %and3A_62 = arith.constant 4 : i32
      %and3A_63 = vector.broadcast %and3A_62 : i32 to vector<16xi32>
      %and3A_64 = arith.andi %iota3A, %and3A_63 : vector<16xi32>
      %ne3A_65 = arith.constant 0 : i32
      %ne3A_66 = vector.broadcast %ne3A_65 : i32 to vector<16xi32>
      %ne3A_67 = arith.cmpi ne, %and3A_64, %ne3A_66 : vector<16xi32>
      %select_n3A_68 = arith.select %ne3A_67, %get3A_61, %get3A_58 : vector<16xi1>, vector<16xf32>
      %add3A_69 = arith.addf %add3A_51, %select_n3A_68 : vector<16xf32>
      %swap3A_70 = arith.constant 16 : index
      %swap3A_71 = tpu.vector_load %arg6[%swap3A_70] {strides = array<i32>} : memref<48xf32, #tpu.memory_space<vmem>>, vector<16xf32>,
      %swap3A_72 = vector.shape_cast %swap3A_71 : vector<16xf32> to vector<16xf32>
      %swap3A_73 = vector.shape_cast %add3A_69 : vector<16xf32> to vector<16xf32>
      tpu.vector_store %arg6[%swap3A_70], %swap3A_73 {strides = array<i32>} : memref<48xf32, #tpu.memory_space<vmem>>, vector<16xf32>,
      %get3A_74 = arith.constant 18 : index
      %get3A_75 = tpu.vector_load %arg6[%get3A_74] {strides = array<i32>} : memref<48xf32, #tpu.memory_space<vmem>>, vector<16xf32>,
      %get3A_76 = vector.shape_cast %get3A_75 : vector<16xf32> to vector<16xf32>
      %get3A_77 = arith.constant 14 : index
      %get3A_78 = tpu.vector_load %arg6[%get3A_77] {strides = array<i32>} : memref<48xf32, #tpu.memory_space<vmem>>, vector<16xf32>,
      %get3A_79 = vector.shape_cast %get3A_78 : vector<16xf32> to vector<16xf32>
      %and3A_80 = arith.constant 2 : i32
      %and3A_81 = vector.broadcast %and3A_80 : i32 to vector<16xi32>
      %and3A_82 = arith.andi %iota3A, %and3A_81 : vector<16xi32>
      %ne3A_83 = arith.constant 0 : i32
      %ne3A_84 = vector.broadcast %ne3A_83 : i32 to vector<16xi32>
      %ne3A_85 = arith.cmpi ne, %and3A_82, %ne3A_84 : vector<16xi32>
      %select_n3A_86 = arith.select %ne3A_85, %get3A_79, %get3A_76 : vector<16xi1>, vector<16xf32>
      %add3A_87 = arith.addf %add3A_69, %select_n3A_86 : vector<16xf32>
      %swap3A_88 = arith.constant 16 : index
      %swap3A_89 = tpu.vector_load %arg6[%swap3A_88] {strides = array<i32>} : memref<48xf32, #tpu.memory_space<vmem>>, vector<16xf32>,
      %swap3A_90 = vector.shape_cast %swap3A_89 : vector<16xf32> to vector<16xf32>
      %swap3A_91 = vector.shape_cast %add3A_87 : vector<16xf32> to vector<16xf32>
      tpu.vector_store %arg6[%swap3A_88], %swap3A_91 {strides = array<i32>} : memref<48xf32, #tpu.memory_space<vmem>>, vector<16xf32>,
      %get3A_92 = arith.constant 17 : index
      %get3A_93 = tpu.vector_load %arg6[%get3A_92] {strides = array<i32>} : memref<48xf32, #tpu.memory_space<vmem>>, vector<16xf32>,
      %get3A_94 = vector.shape_cast %get3A_93 : vector<16xf32> to vector<16xf32>
      %get3A_95 = arith.constant 15 : index
      %get3A_96 = tpu.vector_load %arg6[%get3A_95] {strides = array<i32>} : memref<48xf32, #tpu.memory_space<vmem>>, vector<16xf32>,
      %get3A_97 = vector.shape_cast %get3A_96 : vector<16xf32> to vector<16xf32>
      %and3A_98 = arith.constant 1 : i32
      %and3A_99 = vector.broadcast %and3A_98 : i32 to vector<16xi32>
      %and3A_100 = arith.andi %iota3A, %and3A_99 : vector<16xi32>
      %ne3A_101 = arith.constant 0 : i32
      %ne3A_102 = vector.broadcast %ne3A_101 : i32 to vector<16xi32>
      %ne3A_103 = arith.cmpi ne, %and3A_100, %ne3A_102 : vector<16xi32>
      %select_n3A_104 = arith.select %ne3A_103, %get3A_97, %get3A_94 : vector<16xi1>, vector<16xf32>
      %add3A_105 = arith.addf %add3A_87, %select_n3A_104 : vector<16xf32>
      %ge3A = arith.cmpf oge, %add3A_105, %broadcast_in_dim3A_5 : vector<16xf32>
      %select_n3A_106 = arith.select %ge3A, %add3A_31, %scan3A_27 : vector<16xi1>, vector<16xi32>
      %select_n3A_107 = arith.select %ge3A, %scan3A_28, %add3A_31 : vector<16xi1>, vector<16xi32>
      scf.yield %select_n3A_106, %select_n3A_107 : vector<16xi32>, vector<16xi32>
    }
    %scan3A_21 = arith.constant 31 : i32
    %swap3A_22 = arith.constant 0 : index
    %swap3A_23 = tpu.vector_load %arg5[%swap3A_22] {strides = array<i32>} : memref<16xi32, #tpu.memory_space<vmem>>, vector<16xi32>,
    %swap3A_24 = vector.shape_cast %swap3A_23 : vector<16xi32> to vector<16xi32>
    %swap3A_25 = vector.shape_cast %scan3A_20#0 : vector<16xi32> to vector<16xi32>
    tpu.vector_store %arg5[%swap3A_22], %swap3A_25 {strides = array<i32>} : memref<16xi32, #tpu.memory_space<vmem>>, vector<16xi32>,
    "tpu.region"() ({
      %run_scoped3A = tpu.sem_alloc : memref<!tpu.dma_semaphore, #tpu.memory_space<semaphore_mem>>
      %dma_start3A = arith.constant 0 : i32
      %dma_start3A_26 = tpu.memref_slice %arg3[%add3A, %dma_start3A] : memref<32x16xi32, #tpu.memory_space<hbm>> -> memref<1x16xi32, #tpu.memory_space<hbm>>
      %dma_start3A_27 = tpu.memref_squeeze %dma_start3A_26 : memref<1x16xi32, #tpu.memory_space<hbm>> -> memref<16xi32, #tpu.memory_space<hbm>>
      %dma_start3A_28 = arith.constant 0 : i32
      %dma_start3A_29 = tpu.memref_slice %arg3[%add3A, %dma_start3A_28] : memref<32x16xi32, #tpu.memory_space<hbm>> -> memref<1x16xi32, #tpu.memory_space<hbm>>
      %dma_start3A_30 = tpu.memref_squeeze %dma_start3A_29 : memref<1x16xi32, #tpu.memory_space<hbm>> -> memref<16xi32, #tpu.memory_space<hbm>>
      tpu.enqueue_dma source(%arg5 : memref<16xi32, #tpu.memory_space<vmem>>) target(%dma_start3A_30 : memref<16xi32, #tpu.memory_space<hbm>>) target_semaphore(%run_scoped3A : memref<!tpu.dma_semaphore, #tpu.memory_space<semaphore_mem>>)
      %dma_wait3A = arith.constant 0 : i32
      %dma_wait3A_31 = tpu.memref_slice %arg3[%add3A, %dma_wait3A] : memref<32x16xi32, #tpu.memory_space<hbm>> -> memref<1x16xi32, #tpu.memory_space<hbm>>
      %dma_wait3A_32 = tpu.memref_squeeze %dma_wait3A_31 : memref<1x16xi32, #tpu.memory_space<hbm>> -> memref<16xi32, #tpu.memory_space<hbm>>
      %dma_wait3A_33 = arith.constant 0 : i32
      %dma_wait3A_34 = tpu.memref_slice %arg3[%add3A, %dma_wait3A_33] : memref<32x16xi32, #tpu.memory_space<hbm>> -> memref<1x16xi32, #tpu.memory_space<hbm>>
      %dma_wait3A_35 = tpu.memref_squeeze %dma_wait3A_34 : memref<1x16xi32, #tpu.memory_space<hbm>> -> memref<16xi32, #tpu.memory_space<hbm>>
      tpu.wait_dma2 semaphore(%run_scoped3A : memref<!tpu.dma_semaphore, #tpu.memory_space<semaphore_mem>>) src(%arg5 : memref<16xi32, #tpu.memory_space<vmem>>) dst(%dma_wait3A_35 : memref<16xi32, #tpu.memory_space<hbm>>)
      tpu.yield
    }) : () -> ()
    return
  }
}

module attributes {stable_mosaic.version = 14 : i64} {
  func.func @_stage_b_kernel(%arg0: i32, %arg1: memref<256x1024xf32, #tpu.memory_space<vmem>>, %arg2: memref<1x4096xf32, #tpu.memory_space<vmem>>, %arg3: memref<256x4096xf32, #tpu.memory_space<vmem>>, %arg4: memref<32x4096xf32, #tpu.memory_space<vmem>>, %arg5: memref<32x16xi32, #tpu.memory_space<vmem>>, %arg6: memref<1024x4096xf32, #tpu.memory_space<any>>, %arg7: memref<4096x1024xf32, #tpu.memory_space<any>>, %arg8: memref<256x1024xf32, #tpu.memory_space<vmem>>, %arg9: memref<256x1024xf32, #tpu.memory_space<vmem>>, %arg10: memref<4096x1024xf32, #tpu.memory_space<vmem>>, %arg11: memref<1024x4096xf32, #tpu.memory_space<vmem>>, %arg12: memref<!tpu.dma_semaphore, #tpu.memory_space<semaphore_mem>>, %arg13: memref<!tpu.dma_semaphore, #tpu.memory_space<semaphore_mem>>) attributes {dimension_semantics = [#tpu.dimension_semantics<arbitrary>], iteration_bounds = array<i64: 16>, scalar_prefetch = 0 : i64, scratch_operands = 4 : i64, tpu.core_type = #tpu.core_type<tc>, window_params = [{transform_indices = @transform_0, window_bounds = array<i64: 256, 1024>}, {pipeline_mode = #tpu.pipeline_mode<synchronous>, transform_indices = @transform_1, window_bounds = array<i64: 1, 4096>}, {transform_indices = @transform_2, window_bounds = array<i64: 256, 4096>}, {pipeline_mode = #tpu.pipeline_mode<synchronous>, transform_indices = @transform_3, window_bounds = array<i64: 32, 4096>}, {pipeline_mode = #tpu.pipeline_mode<synchronous>, transform_indices = @transform_4, window_bounds = array<i64: 32, 16>}, {}, {}, {transform_indices = @transform_7, window_bounds = array<i64: 256, 1024>}, {transform_indices = @transform_8, window_bounds = array<i64: 256, 1024>}]} {
    %eq3A = arith.constant 0 : i32
    %eq3A_0 = arith.cmpi eq, %arg0, %eq3A : i32
    %convert_element_type3A = arith.extui %eq3A_0 : i1 to i32
    %cond3A = arith.constant 0 : i32
    %cond3A_1 = arith.cmpi ne, %convert_element_type3A, %cond3A : i32
    scf.if %cond3A_1 {
      tpu.enqueue_dma source(%arg7 : memref<4096x1024xf32, #tpu.memory_space<any>>) target(%arg10 : memref<4096x1024xf32, #tpu.memory_space<vmem>>) target_semaphore(%arg12 : memref<!tpu.dma_semaphore, #tpu.memory_space<semaphore_mem>>)
      tpu.enqueue_dma source(%arg6 : memref<1024x4096xf32, #tpu.memory_space<any>>) target(%arg11 : memref<1024x4096xf32, #tpu.memory_space<vmem>>) target_semaphore(%arg13 : memref<!tpu.dma_semaphore, #tpu.memory_space<semaphore_mem>>)
      tpu.wait_dma2 semaphore(%arg12 : memref<!tpu.dma_semaphore, #tpu.memory_space<semaphore_mem>>) src(%arg7 : memref<4096x1024xf32, #tpu.memory_space<any>>) dst(%arg10 : memref<4096x1024xf32, #tpu.memory_space<vmem>>)
    } else {
    }
    %get3A = arith.constant 0 : index
    %get3A_2 = arith.constant 0 : index
    %get3A_3 = vector.load %arg1[%get3A, %get3A_2] : memref<256x1024xf32, #tpu.memory_space<vmem>>, vector<256x1024xf32>
    %get3A_4 = arith.constant 0 : index
    %get3A_5 = arith.constant 0 : index
    %get3A_6 = vector.load %arg10[%get3A_4, %get3A_5] : memref<4096x1024xf32, #tpu.memory_space<vmem>>, vector<4096x1024xf32>
    %dot_general3A = arith.constant dense<0.000000e+00> : vector<256x4096xf32>
    %dot_general3A_7 = tpu.matmul %get3A_3, %get3A_6, %dot_general3A {dimension_numbers = #tpu.dot_dimension_numbers<[1], [1], [0], [0], [0, 0, 1, 0], [], []>, transpose_lhs_hint = false} : vector<256x1024xf32>, vector<4096x1024xf32>, vector<256x4096xf32> -> vector<256x4096xf32>
    %get3A_8 = arith.constant 0 : index
    %get3A_9 = arith.constant 0 : index
    %get3A_10 = vector.load %arg2[%get3A_8, %get3A_9] : memref<1x4096xf32, #tpu.memory_space<vmem>>, vector<1x4096xf32>
    %add3A = vector.broadcast %get3A_10 : vector<1x4096xf32> to vector<256x4096xf32>
    %add3A_11 = arith.addf %dot_general3A_7, %add3A : vector<256x4096xf32>
    %integer_pow3A = arith.mulf %add3A_11, %add3A_11 : vector<256x4096xf32>
    %integer_pow3A_12 = arith.mulf %add3A_11, %integer_pow3A : vector<256x4096xf32>
    %mul3A = arith.constant 4.471500e-02 : f32
    %mul3A_13 = vector.broadcast %mul3A : f32 to vector<256x4096xf32>
    %mul3A_14 = arith.mulf %mul3A_13, %integer_pow3A_12 : vector<256x4096xf32>
    %add3A_15 = arith.addf %add3A_11, %mul3A_14 : vector<256x4096xf32>
    %mul3A_16 = arith.constant 0.797884583 : f32
    %mul3A_17 = vector.broadcast %mul3A_16 : f32 to vector<256x4096xf32>
    %mul3A_18 = arith.mulf %mul3A_17, %add3A_15 : vector<256x4096xf32>
    %tanh3A = math.tanh %mul3A_18 : vector<256x4096xf32>
    %add3A_19 = arith.constant 1.000000e+00 : f32
    %add3A_20 = vector.broadcast %add3A_19 : f32 to vector<256x4096xf32>
    %add3A_21 = arith.addf %add3A_20, %tanh3A : vector<256x4096xf32>
    %mul3A_22 = arith.constant 5.000000e-01 : f32
    %mul3A_23 = vector.broadcast %mul3A_22 : f32 to vector<256x4096xf32>
    %mul3A_24 = arith.mulf %mul3A_23, %add3A_21 : vector<256x4096xf32>
    %mul3A_25 = arith.mulf %add3A_11, %mul3A_24 : vector<256x4096xf32>
    %eq3A_26 = arith.constant 0 : i32
    %eq3A_27 = arith.cmpi eq, %arg0, %eq3A_26 : i32
    %convert_element_type3A_28 = arith.extui %eq3A_27 : i1 to i32
    %cond3A_29 = arith.constant 0 : i32
    %cond3A_30 = arith.cmpi ne, %convert_element_type3A_28, %cond3A_29 : i32
    scf.if %cond3A_30 {
      tpu.wait_dma2 semaphore(%arg13 : memref<!tpu.dma_semaphore, #tpu.memory_space<semaphore_mem>>) src(%arg6 : memref<1024x4096xf32, #tpu.memory_space<any>>) dst(%arg11 : memref<1024x4096xf32, #tpu.memory_space<vmem>>)
    } else {
    }
    %mul3A_31 = arith.constant 2 : i32
    %mul3A_32 = arith.muli %mul3A_31, %arg0 : i32
    %get3A_33 = arith.index_cast %mul3A_32 : i32 to index
    %get3A_34 = arith.constant 0 : index
    %get3A_35 = vector.load %arg4[%get3A_33, %get3A_34] : memref<32x4096xf32, #tpu.memory_space<vmem>>, vector<1x4096xf32>
    %bitcast_convert_type3A = tpu.bitcast %get3A_35 : vector<1x4096xf32> -> vector<1x4096xi32>
    %mul3A_36 = arith.constant 2 : i32
    %mul3A_37 = arith.muli %mul3A_36, %arg0 : i32
    %add3A_38 = arith.constant 1 : i32
    %add3A_39 = arith.addi %mul3A_37, %add3A_38 : i32
    %get3A_40 = arith.index_cast %add3A_39 : i32 to index
    %get3A_41 = arith.constant 0 : index
    %get3A_42 = vector.load %arg4[%get3A_40, %get3A_41] : memref<32x4096xf32, #tpu.memory_space<vmem>>, vector<1x4096xf32>
    %bitcast_convert_type3A_43 = tpu.bitcast %get3A_42 : vector<1x4096xf32> -> vector<1x4096xi32>
    %mul3A_44 = arith.constant 2 : i32
    %mul3A_45 = arith.muli %mul3A_44, %arg0 : i32
    %get3A_46 = arith.index_cast %mul3A_45 : i32 to index
    %get3A_47 = arith.constant 0 : index
    %get3A_48 = vector.load %arg5[%get3A_46, %get3A_47] : memref<32x16xi32, #tpu.memory_space<vmem>>, vector<1x1xi32>
    %ge3A = vector.broadcast %get3A_48 : vector<1x1xi32> to vector<1x4096xi32>
    %ge3A_49 = arith.cmpi sge, %bitcast_convert_type3A, %ge3A : vector<1x4096xi32>
    %convert_element_type3A_50 = arith.extui %ge3A_49 : vector<1x4096xi1> to vector<1x4096xi32>
    %convert_element_type3A_51 = arith.sitofp %convert_element_type3A_50 : vector<1x4096xi32> to vector<1x4096xf32>
    %mul3A_52 = arith.constant 2 : i32
    %mul3A_53 = arith.muli %mul3A_52, %arg0 : i32
    %add3A_54 = arith.constant 1 : i32
    %add3A_55 = arith.addi %mul3A_53, %add3A_54 : i32
    %get3A_56 = arith.index_cast %add3A_55 : i32 to index
    %get3A_57 = arith.constant 0 : index
    %get3A_58 = vector.load %arg5[%get3A_56, %get3A_57] : memref<32x16xi32, #tpu.memory_space<vmem>>, vector<1x1xi32>
    %ge3A_59 = vector.broadcast %get3A_58 : vector<1x1xi32> to vector<1x4096xi32>
    %ge3A_60 = arith.cmpi sge, %bitcast_convert_type3A_43, %ge3A_59 : vector<1x4096xi32>
    %convert_element_type3A_61 = arith.extui %ge3A_60 : vector<1x4096xi1> to vector<1x4096xi32>
    %convert_element_type3A_62 = arith.sitofp %convert_element_type3A_61 : vector<1x4096xi32> to vector<1x4096xf32>
    %iota3A = tpu.iota {dimensions = array<i32: 0>} : vector<256x1xi32>
    %lt3A = arith.constant 128 : i32
    %lt3A_63 = vector.broadcast %lt3A : i32 to vector<256x1xi32>
    %lt3A_64 = arith.cmpi slt, %iota3A, %lt3A_63 : vector<256x1xi32>
    %convert_element_type3A_65 = arith.extui %lt3A_64 : vector<256x1xi1> to vector<256x1xi32>
    %convert_element_type3A_66 = arith.sitofp %convert_element_type3A_65 : vector<256x1xi32> to vector<256x1xf32>
    %mul3A_67 = vector.broadcast %convert_element_type3A_51 : vector<1x4096xf32> to vector<256x4096xf32>
    %mul3A_68 = vector.broadcast %convert_element_type3A_66 : vector<256x1xf32> to vector<256x4096xf32>
    %mul3A_69 = arith.mulf %mul3A_67, %mul3A_68 : vector<256x4096xf32>
    %sub3A = arith.constant 1.000000e+00 : f32
    %sub3A_70 = vector.broadcast %sub3A : f32 to vector<256x1xf32>
    %sub3A_71 = arith.subf %sub3A_70, %convert_element_type3A_66 : vector<256x1xf32>
    %mul3A_72 = vector.broadcast %convert_element_type3A_62 : vector<1x4096xf32> to vector<256x4096xf32>
    %mul3A_73 = vector.broadcast %sub3A_71 : vector<256x1xf32> to vector<256x4096xf32>
    %mul3A_74 = arith.mulf %mul3A_72, %mul3A_73 : vector<256x4096xf32>
    %add3A_75 = arith.addf %mul3A_69, %mul3A_74 : vector<256x4096xf32>
    %get3A_76 = arith.constant 0 : index
    %get3A_77 = arith.constant 0 : index
    %get3A_78 = vector.load %arg3[%get3A_76, %get3A_77] : memref<256x4096xf32, #tpu.memory_space<vmem>>, vector<256x4096xf32>
    %sub3A_79 = arith.subf %mul3A_25, %get3A_78 : vector<256x4096xf32>
    %mul3A_80 = arith.mulf %sub3A_79, %add3A_75 : vector<256x4096xf32>
    %get3A_81 = arith.constant 0 : index
    %get3A_82 = arith.constant 0 : index
    %get3A_83 = vector.load %arg11[%get3A_81, %get3A_82] : memref<1024x4096xf32, #tpu.memory_space<vmem>>, vector<1024x4096xf32>
    %dot_general3A_84 = arith.constant dense<0.000000e+00> : vector<256x1024xf32>
    %dot_general3A_85 = tpu.matmul %mul3A_80, %get3A_83, %dot_general3A_84 {dimension_numbers = #tpu.dot_dimension_numbers<[1], [1], [0], [0], [0, 0, 1, 0], [], []>, transpose_lhs_hint = false} : vector<256x4096xf32>, vector<1024x4096xf32>, vector<256x1024xf32> -> vector<256x1024xf32>
    %get3A_86 = arith.constant 0 : index
    %get3A_87 = arith.constant 0 : index
    %get3A_88 = vector.load %arg8[%get3A_86, %get3A_87] : memref<256x1024xf32, #tpu.memory_space<vmem>>, vector<256x1024xf32>
    %add3A_89 = arith.addf %get3A_88, %dot_general3A_85 : vector<256x1024xf32>
    %swap3A = arith.constant 0 : index
    %swap3A_90 = arith.constant 0 : index
    %swap3A_91 = vector.load %arg9[%swap3A, %swap3A_90] : memref<256x1024xf32, #tpu.memory_space<vmem>>, vector<256x1024xf32>
    tpu.vector_store %arg9[%swap3A, %swap3A_90], %add3A_89 {strides = array<i32>} : memref<256x1024xf32, #tpu.memory_space<vmem>>, vector<256x1024xf32>,
    return
  }
  func.func @transform_0(%arg0: i32) -> (i32, i32) {
    %c0_i32 = arith.constant 0 : i32
    %c0_i32_0 = arith.constant 0 : i32
    return %arg0, %c0_i32 : i32, i32
  }
  func.func @transform_1(%arg0: i32) -> (i32, i32) {
    %c0_i32 = arith.constant 0 : i32
    %c0_i32_0 = arith.constant 0 : i32
    %c0_i32_1 = arith.constant 0 : i32
    return %c0_i32, %c0_i32_0 : i32, i32
  }
  func.func @transform_2(%arg0: i32) -> (i32, i32) {
    %c0_i32 = arith.constant 0 : i32
    %c0_i32_0 = arith.constant 0 : i32
    return %arg0, %c0_i32 : i32, i32
  }
  func.func @transform_3(%arg0: i32) -> (i32, i32) {
    %c0_i32 = arith.constant 0 : i32
    %c0_i32_0 = arith.constant 0 : i32
    %c0_i32_1 = arith.constant 0 : i32
    return %c0_i32, %c0_i32_0 : i32, i32
  }
  func.func @transform_4(%arg0: i32) -> (i32, i32) {
    %c0_i32 = arith.constant 0 : i32
    %c0_i32_0 = arith.constant 0 : i32
    %c0_i32_1 = arith.constant 0 : i32
    return %c0_i32, %c0_i32_0 : i32, i32
  }
  func.func @transform_7(%arg0: i32) -> (i32, i32) {
    %c0_i32 = arith.constant 0 : i32
    %c0_i32_0 = arith.constant 0 : i32
    return %arg0, %c0_i32 : i32, i32
  }
  func.func @transform_8(%arg0: i32) -> (i32, i32) {
    %c0_i32 = arith.constant 0 : i32
    %c0_i32_0 = arith.constant 0 : i32
    return %arg0, %c0_i32 : i32, i32
  }
}

module attributes {stable_mosaic.version = 14 : i64} {
  func.func @_stage_a_kernel(%arg0: i32, %arg1: memref<256x1024xf32, #tpu.memory_space<vmem>>, %arg2: memref<1x4096xf32, #tpu.memory_space<vmem>>, %arg3: memref<4096x1024xf32, #tpu.memory_space<any>>, %arg4: memref<256x4096xf32, #tpu.memory_space<any>>, %arg5: memref<32x4096xf32, #tpu.memory_space<vmem>>, %arg6: memref<256x1024xf32, #tpu.memory_space<vmem>>, %arg7: memref<4096x1024xf32, #tpu.memory_space<vmem>>, %arg8: memref<256x4096xf32, #tpu.memory_space<vmem>>, %arg9: memref<!tpu.dma_semaphore, #tpu.memory_space<semaphore_mem>>, %arg10: memref<!tpu.dma_semaphore, #tpu.memory_space<semaphore_mem>>) attributes {dimension_semantics = [#tpu.dimension_semantics<arbitrary>], iteration_bounds = array<i64: 17>, scalar_prefetch = 0 : i64, scratch_operands = 5 : i64, tpu.core_type = #tpu.core_type<tc>, window_params = [{transform_indices = @transform_0, window_bounds = array<i64: 256, 1024>}, {pipeline_mode = #tpu.pipeline_mode<synchronous>, transform_indices = @transform_1, window_bounds = array<i64: 1, 4096>}, {}, {}, {pipeline_mode = #tpu.pipeline_mode<synchronous>, transform_indices = @transform_4, window_bounds = array<i64: 32, 4096>}]} {
    %eq3A = arith.constant 0 : i32
    %eq3A_0 = arith.cmpi eq, %arg0, %eq3A : i32
    %convert_element_type3A = arith.extui %eq3A_0 : i1 to i32
    %cond3A = arith.constant 0 : i32
    %cond3A_1 = arith.cmpi ne, %convert_element_type3A, %cond3A : i32
    scf.if %cond3A_1 {
      tpu.enqueue_dma source(%arg3 : memref<4096x1024xf32, #tpu.memory_space<any>>) target(%arg7 : memref<4096x1024xf32, #tpu.memory_space<vmem>>) target_semaphore(%arg9 : memref<!tpu.dma_semaphore, #tpu.memory_space<semaphore_mem>>)
      tpu.enqueue_dma source(%arg4 : memref<256x4096xf32, #tpu.memory_space<any>>) target(%arg8 : memref<256x4096xf32, #tpu.memory_space<vmem>>) target_semaphore(%arg10 : memref<!tpu.dma_semaphore, #tpu.memory_space<semaphore_mem>>)
    } else {
    }
    %lt3A = arith.constant 16 : i32
    %lt3A_2 = arith.cmpi slt, %arg0, %lt3A : i32
    %convert_element_type3A_3 = arith.extui %lt3A_2 : i1 to i32
    %cond3A_4 = arith.constant 0 : i32
    %cond3A_5 = arith.cmpi ne, %convert_element_type3A_3, %cond3A_4 : i32
    scf.if %cond3A_5 {
      %get3A = arith.constant 0 : index
      %get3A_11 = arith.constant 0 : index
      %get3A_12 = vector.load %arg1[%get3A, %get3A_11] : memref<256x1024xf32, #tpu.memory_space<vmem>>, vector<256x1024xf32>
      %reshape3A = vector.shape_cast %get3A_12 : vector<256x1024xf32> to vector<16x16x1024xf32>
      %reduce_sum3A = arith.constant dense<0.000000e+00> : vector<16x1024xf32>
      %reduce_sum3A_13 = vector.multi_reduction <add>, %reshape3A, %reduce_sum3A [1] : vector<16x16x1024xf32> to vector<16x1024xf32>
      %div3A = arith.constant 1.600000e+01 : f32
      %div3A_14 = vector.broadcast %div3A : f32 to vector<16x1024xf32>
      %div3A_15 = arith.divf %reduce_sum3A_13, %div3A_14 : vector<16x1024xf32>
      %mul3A = arith.constant 16 : i32
      %mul3A_16 = arith.muli %mul3A, %arg0 : i32
      %swap3A = arith.index_cast %mul3A_16 : i32 to index
      %swap3A_17 = arith.constant 0 : index
      %swap3A_18 = vector.load %arg6[%swap3A, %swap3A_17] : memref<256x1024xf32, #tpu.memory_space<vmem>>, vector<16x1024xf32>
      tpu.vector_store %arg6[%swap3A, %swap3A_17], %div3A_15 {strides = array<i32>} : memref<256x1024xf32, #tpu.memory_space<vmem>>, vector<16x1024xf32>,
    } else {
    }
    %eq3A_6 = arith.constant 16 : i32
    %eq3A_7 = arith.cmpi eq, %arg0, %eq3A_6 : i32
    %convert_element_type3A_8 = arith.extui %eq3A_7 : i1 to i32
    %cond3A_9 = arith.constant 0 : i32
    %cond3A_10 = arith.cmpi ne, %convert_element_type3A_8, %cond3A_9 : i32
    scf.if %cond3A_10 {
      tpu.wait_dma2 semaphore(%arg9 : memref<!tpu.dma_semaphore, #tpu.memory_space<semaphore_mem>>) src(%arg3 : memref<4096x1024xf32, #tpu.memory_space<any>>) dst(%arg7 : memref<4096x1024xf32, #tpu.memory_space<vmem>>)
      tpu.wait_dma2 semaphore(%arg10 : memref<!tpu.dma_semaphore, #tpu.memory_space<semaphore_mem>>) src(%arg4 : memref<256x4096xf32, #tpu.memory_space<any>>) dst(%arg8 : memref<256x4096xf32, #tpu.memory_space<vmem>>)
      %get3A = arith.constant 0 : index
      %get3A_11 = arith.constant 0 : index
      %get3A_12 = vector.load %arg6[%get3A, %get3A_11] : memref<256x1024xf32, #tpu.memory_space<vmem>>, vector<256x1024xf32>
      %get3A_13 = arith.constant 0 : index
      %get3A_14 = arith.constant 0 : index
      %get3A_15 = vector.load %arg7[%get3A_13, %get3A_14] : memref<4096x1024xf32, #tpu.memory_space<vmem>>, vector<4096x1024xf32>
      %dot_general3A = arith.constant dense<0.000000e+00> : vector<256x4096xf32>
      %dot_general3A_16 = tpu.matmul %get3A_12, %get3A_15, %dot_general3A {dimension_numbers = #tpu.dot_dimension_numbers<[1], [1], [0], [0], [0, 0, 1, 0], [], []>, transpose_lhs_hint = false} : vector<256x1024xf32>, vector<4096x1024xf32>, vector<256x4096xf32> -> vector<256x4096xf32>
      %get3A_17 = arith.constant 0 : index
      %get3A_18 = arith.constant 0 : index
      %get3A_19 = vector.load %arg2[%get3A_17, %get3A_18] : memref<1x4096xf32, #tpu.memory_space<vmem>>, vector<1x4096xf32>
      %add3A = vector.broadcast %get3A_19 : vector<1x4096xf32> to vector<256x4096xf32>
      %add3A_20 = arith.addf %dot_general3A_16, %add3A : vector<256x4096xf32>
      %get3A_21 = arith.constant 0 : index
      %get3A_22 = arith.constant 0 : index
      %get3A_23 = vector.load %arg8[%get3A_21, %get3A_22] : memref<256x4096xf32, #tpu.memory_space<vmem>>, vector<256x4096xf32>
      %sub3A = arith.subf %add3A_20, %get3A_23 : vector<256x4096xf32>
      %abs3A = math.absf %sub3A : vector<256x4096xf32>
      %reshape3A = vector.shape_cast %abs3A : vector<256x4096xf32> to vector<32x8x4096xf32>
      %reduce_sum3A = arith.constant dense<0.000000e+00> : vector<32x4096xf32>
      %reduce_sum3A_24 = vector.multi_reduction <add>, %reshape3A, %reduce_sum3A [1] : vector<32x8x4096xf32> to vector<32x4096xf32>
      %swap3A = arith.constant 0 : index
      %swap3A_25 = arith.constant 0 : index
      %swap3A_26 = vector.load %arg5[%swap3A, %swap3A_25] : memref<32x4096xf32, #tpu.memory_space<vmem>>, vector<32x4096xf32>
      tpu.vector_store %arg5[%swap3A, %swap3A_25], %reduce_sum3A_24 {strides = array<i32>} : memref<32x4096xf32, #tpu.memory_space<vmem>>, vector<32x4096xf32>,
    } else {
    }
    return
  }
  func.func @transform_0(%arg0: i32) -> (i32, i32) {
    %min3A = arith.constant 15 : i32
    %min3A_0 = arith.minsi %arg0, %min3A : i32
    %c0_i32 = arith.constant 0 : i32
    %c0_i32_1 = arith.constant 0 : i32
    return %min3A_0, %c0_i32 : i32, i32
  }
  func.func @transform_1(%arg0: i32) -> (i32, i32) {
    %c0_i32 = arith.constant 0 : i32
    %c0_i32_0 = arith.constant 0 : i32
    %c0_i32_1 = arith.constant 0 : i32
    return %c0_i32, %c0_i32_0 : i32, i32
  }
  func.func @transform_4(%arg0: i32) -> (i32, i32) {
    %c0_i32 = arith.constant 0 : i32
    %c0_i32_0 = arith.constant 0 : i32
    %c0_i32_1 = arith.constant 0 : i32
    return %c0_i32, %c0_i32_0 : i32, i32
  }
}

</mosaic_0001>

<sc_bundles>
// kernel: kernel.5.cloned.1.call-start
scs
__scs_entry_jumppad:
0x0: {  	(pc) =	sbr.rel $0x88, $3  }
0x1: {  	(tag) =	ssettag $0x0;
	lr =	simm.s32 $0x1  }
0x2: {  	[smem:$0x3F9A] =	sst lr;
	_ =	strace $0xD0000000  }
0x3: {  	_ = 	snop  }
0x4: {  	_ = 	snop  }
0x5: {  	_ = 	snop  }
0x6: {  	_ = 	snop  }
0x7: {  	_ = 	snop  }
__scs_overlays_trampoline_lowered:
0x8: {  	[smem:$0x3FA9] =	sst s0  }
0x9: {  	[smem:$0x3FAA] =	sst s1  }
0xa: {  	[smem:$0x3FAB] =	sst s2  }
0xb: {  	[smem:$0x3FAC] =	sst s3  }
0xc: {  	[smem:$0x3FAD] =	sst s4  }
0xd: {  	[smem:$0x3FAE] =	sst s5  }
0xe: {  	[smem:$0x3FAF] =	sst s6  }
0xf: {  	[smem:$0x3FB0] =	sst s7  }
0x10: {  	[smem:$0x3FB1] =	sst s8  }
0x11: {  	[smem:$0x3FB2] =	sst s9;
	s0 =	simm.s32 @!p0 $0x0  }
0x12: {  	s1 =	sld [smem:$0x3F98];
	s0 =	simm.s32 @p0 $0x1  }
0x13: {  	[smem:$0x3FB3] =	sst s0;
	s0 =	simm.s32 @!p1 $0x0  }
0x14: {  	s2 =	sld [smem:$0x3F97];
	s0 =	simm.s32 @p1 $0x1  }
0x15: {  	[smem:$0x3FB4] =	sst s0;
	s0 =	simm.s32 @!p2 $0x0  }
0x16: {  	s3 =	sld [smem:$0x3FDB];
	s0 =	simm.s32 @p2 $0x1  }
0x17: {  	s4 =	simm.s32 $0x1BF5;
	[smem:$0x3FB6] =	sst s0  }
0x18: {  	s0 =	sld [smem:$0x3F99];
	_ =	swait.ge [sflag:s4], $0x0  }
0x19: {  	s7 =	sld [smem:$0x3F9A]  }
0x1a: {  	s8 =	sadd.s32 $0xFFFFE003, lr  }
0x1b: {  	s9 =	sadd.s32 $0xFFFFFEF7, lr;
	s5 =	simm.s32 $0xFFFFFFFF;
	p2 =	slt.u32 s8, $0xFFFFF086  }
0x1c: {  	p1 =	slt.u32 s9, $0xF7A;
	s5 =	simm.s32 @!p2 $0x0  }
0x1d: {  	s5 =	simm.s32 @p1 $0x1;
	p0 =	seq.s32 s7, s2  }
0x1e: {  	s7 =	smul.u32 @!p0 $0xF7A, s2;
	p2 =	seq.s32 @!p0 s5, $0x0  }
0x1f: {  	s9 =	smul.u32 $0xF7A, s1;
	s8 =	simm.s32 @!p0 $0x1BF5;
	p2 =	por !p2, p0  }
0x20: {  	[sflag:s8] =	ssyncset.s32 @!p0 $0xFFFFF086;
	s6 =	sadd.s32 @!p0 s3, s7;
	s7 =	simm.s32 @!p0 $0x108  }
0x21: {  	s3 =	sadd.s32 s3, s9;
	s6 =	sadd.s32 @!p0 $0x88, s6;
	s7 =	simm.s32 @p2 $0x1082  }
0x22: {  	[simem:s7], [sflag:s8] =	dma.local @!p0 [hbm:s6], $0xF7A  }
0x23: {  	s9 =	sor.u32 $0xD0000000, s2;
	s6 =	simm.s32 $0x108;
	_ =	swait.ge @!p0 [sflag:s8], $0x0  }
0x24: {  	s3 =	sadd.s32 $0x88, s3;
	s6 =	simm.s32 @!p1 $0x1082;
	[sflag:s4] =	ssyncset.s32 $0xFFFFF086  }
0x25: {  	[simem:s6], [sflag:s4] =	dma.local [hbm:s3], $0xF7A  }
0x26: {  	[smem:$0x3F9A] =	sst s1;
	(tag) =	ssettag s2;
	_ =	strace s9  }
0x27: {  	s1 =	sld [smem:$0x3FAA]  }
0x28: {  	s2 =	sld [smem:$0x3FAB]  }
0x29: {  	s4 =	sld [smem:$0x3FAD]  }
0x2a: {  	p0 =	seq.s32 s5, $0x0;
	s5 =	sld [smem:$0x3FAE]  }
0x2b: {  	s6 =	sld [smem:$0x3FAF]  }
0x2c: {  	s7 =	sld [smem:$0x3FB0]  }
0x2d: {  	s3 =	simm.s32 $0x108;
	s8 =	sld [smem:$0x3FB1]  }
0x2e: {  	s3 =	simm.s32 @!p0 $0x1082;
	s9 =	sld [smem:$0x3FB2]  }
0x2f: {  	lr =	sadd.s32 s0, s3;
	s0 =	sld [smem:$0x3FA9]  }
0x30: {  	s3 =	sld [smem:$0x3FAC]  }
0x31: {  	[smem:$0x3FB5] =	sst s10  }
0x32: {  	s10 =	sld [smem:$0x3FB3];
	_ =	sdelay $0x3  }
0x33: {  	p0 =	seq.s32 s10, $0x1;
	s10 =	sld [smem:$0x3FB5];
	_ =	sdelay $0x3  }
0x34: {  	[smem:$0x3FB5] =	sst s10  }
0x35: {  	s10 =	sld [smem:$0x3FB4];
	_ =	sdelay $0x3  }
0x36: {  	p1 =	seq.s32 s10, $0x1;
	s10 =	sld [smem:$0x3FB5];
	_ =	sdelay $0x3  }
0x37: {  	[smem:$0x3FB5] =	sst s10  }
0x38: {  	s10 =	sld [smem:$0x3FB6]  }
0x39: {  	_ = 	snop;
	(pc) =	sbr.ind lr, $3  }
0x3a: {  	_ = 	snop  }
0x3b: {  	_ = 	snop  }
0x3c: {  	p2 =	seq.s32 s10, $0x1;
	s10 =	sld [smem:$0x3FB5]  }
0x3d: {  	_ =	shalt  }
0x3e: {  	_ =	shalt  }
0x3f: {  	_ =	shalt  }
0x40: {  	_ =	shalt  }
0x41: {  	_ =	shalt  }
0x42: {  	_ =	shalt  }
0x43: {  	_ =	shalt  }
0x44: {  	_ =	shalt  }
0x45: {  	_ =	shalt  }
0x46: {  	_ =	shalt  }
0x47: {  	_ =	shalt  }
0x48: {  	_ =	shalt  }
0x49: {  	_ =	shalt  }
0x4a: {  	_ =	shalt  }
0x4b: {  	_ =	shalt  }
0x4c: {  	_ =	shalt  }
0x4d: {  	_ =	shalt  }
0x4e: {  	_ =	shalt  }
0x4f: {  	_ =	shalt  }
0x50: {  	_ =	shalt  }
0x51: {  	_ =	shalt  }
0x52: {  	_ =	shalt  }
0x53: {  	_ =	shalt  }
0x54: {  	_ =	shalt  }
0x55: {  	_ =	shalt  }
0x56: {  	_ =	shalt  }
0x57: {  	_ =	shalt  }
0x58: {  	_ =	shalt  }
0x59: {  	_ =	shalt  }
0x5a: {  	_ =	shalt  }
0x5b: {  	_ =	shalt  }
0x5c: {  	_ =	shalt  }
0x5d: {  	_ =	shalt  }
0x5e: {  	_ =	shalt  }
0x5f: {  	_ =	shalt  }
0x60: {  	_ =	shalt  }
0x61: {  	_ =	shalt  }
0x62: {  	_ =	shalt  }
0x63: {  	_ =	shalt  }
0x64: {  	_ =	shalt  }
0x65: {  	_ =	shalt  }
0x66: {  	_ =	shalt  }
0x67: {  	_ =	shalt  }
0x68: {  	_ =	shalt  }
0x69: {  	_ =	shalt  }
0x6a: {  	_ =	shalt  }
0x6b: {  	_ =	shalt  }
0x6c: {  	_ =	shalt  }
0x6d: {  	_ =	shalt  }
0x6e: {  	_ =	shalt  }
0x6f: {  	_ =	shalt  }
0x70: {  	_ =	shalt  }
0x71: {  	_ =	shalt  }
0x72: {  	_ =	shalt  }
0x73: {  	_ =	shalt  }
0x74: {  	_ =	shalt  }
0x75: {  	_ =	shalt  }
0x76: {  	_ =	shalt  }
0x77: {  	_ =	shalt  }
0x78: {  	_ =	shalt  }
0x79: {  	_ =	shalt  }
0x7a: {  	_ =	shalt  }
0x7b: {  	_ =	shalt  }
0x7c: {  	_ =	shalt  }
0x7d: {  	_ =	shalt  }
0x7e: {  	_ =	shalt  }
0x7f: {  	_ =	shalt  }
0x80: {  	_ =	shalt  }
0x81: {  	_ =	shalt  }
0x82: {  	_ =	shalt  }
0x83: {  	_ =	shalt  }
0x84: {  	_ =	shalt  }
0x85: {  	_ =	shalt  }
0x86: {  	_ =	shalt  }
0x87: {  	_ =	shalt  }
.Lfunc_end0:
.L_simem_size_0:
called_computation_lowered:
.L_overlay_start_0:
0x88: {  	s2 =	sld [smem:$0x3FD9]  }
0x89: {  	s3 =	sld [smem:$0x3FFE];
	_ =	sdelay $0x1  }
0x8a: {  	s1 =	srdreg.scid  }
0x8b: {  	s0 =	sand.u32 $0x1, s1  }
0x8c: {  	s17 =	sshll.u32 s0, $0xA;
	s2 =	sadd.s32 s3, s2  }
0x8d: {  	s2 =	sadd.s32 s2, s17  }
0x8e: {  	[smem:$0x3FC1] =	sst s2  }
0x8f: {  	_ = 	snop  }
0x90: {  	s2 =	sld [smem:$0x3FD0];
	(tm) =	ssettm $0x1  }
0x91: {  	s18 =	sld [smem:$0x3FFB];
	_ =	sdelay $0x3  }
0x92: {  	_ =	strace s18  }
0x93: {  	s3 =	sld [smem:$0x3FFC];
	_ =	sdelay $0x3  }
0x94: {  	_ =	strace s3  }
0x95: {  	s3 =	sld [smem:$0x3FFD];
	_ =	sdelay $0x3  }
0x96: {  	_ =	strace s3  }
0x97: {  	_ =	strace $0x8FFFFFFF  }
0x98: {  	s19 =	sld [smem:$0x3FDB];
	_ =	sdelay $0x1  }
0x99: {  	s4 =	simm.s32 $_scs_section_size  }
0x9a: {  	s5 =	simm.s32 $_size__tile_overlayer_lowered;
	s6 =	simm.s32 $_tile_overlayer_lowered  }
0x9b: {  	s22 =	simm.s32 $0x1BFF;
	s21 =	sshll.u32 s6, $0x1;
	s3 =	sadd.s32 s4, s19  }
0x9c: {  	s7 =	simm.s32 $0x0;
	s20 =	sshll.u32 s5, $0x1;
	s5 =	sadd.s32 s21, s3  }
0x9d: {  	[timem:s7], [sflag:s22] =	dma.local [hbm:s5], s20  }
0x9e: {  	_ =	swait.ge [sflag:s22], s20  }
0x9f: {  	s4 =	ssub.s32 $0x0, s20;
	[sflag:s22] =	ssyncset.done $0x0  }
0xa0: {  	[sflag:s22] =	ssyncadd.s32 s4;
	_ =	sdelay $0x1  }
0xa1: {  	s23 =	simm.s32 $0x1B8B  }
0xa2: {  	_ =	swait.ge [sflag:s23], $0x1  }
0xa3: {  	[sflag:s23] =	ssyncset.done $0x0  }
0xa4: {  	s25 =	simm.s32 $0x1B8E;
	s24 =	sld [smem:$0x3FFE];
	[sflag:s23] =	ssyncadd.s32 $0xFFFFFFFF  }
0xa5: {  	s26 =	simm.s32 $execute0_lowered;
	[smem:$0x3FD2] =	sst s25  }
0xa6: {  	s5 =	sshll.u32 s26, $0x1;
	_ =	strace $0x80000046;
	[dreg:$0x1] =	wrdreg $0xFFFFFFFF  }
0xa7: {  	s28 =	simm.s32 $_size_execute0_lowered;
	s3 =	sadd.s32 s3, s5;
	[dreg:$0x0] =	wrdreg $0x0  }
0xa8: {  	s5 =	sshll.u32 s28, $0x1;
	[dreg:$0x2] =	wrdreg s3  }
0xa9: {  	[dreg:$0x3] =	wrdreg s5  }
0xaa: {  	[dreg:$0x4] =	wrdreg $0xC0  }
0xab: {  	_ =	task [dreg:s7], $0x5FFFF  }
0xac: {  	[dreg:$0x1] =	wrdreg $0xFFFFFFFF  }
0xad: {  	[dreg:$0x0] =	wrdreg $0x60  }
0xae: {  	[dreg:$0x2] =	wrdreg s2  }
0xaf: {  	[dreg:$0x3] =	wrdreg s24  }
0xb0: {  	[dreg:$0x4] =	wrdreg $0x9  }
0xb1: {  	_ =	task.clear_ibuf [dreg:s7], $0x5FFFF;
	_ =	strace $0x90000046  }
0xb2: {  	s29 =	simm.s32 $0x9;
	_ =	strace $0x80000048  }
0xb3: {  	_ =	swait.ge [sflag:s29], $0x1  }
0xb4: {  	[sflag:s29] =	ssyncadd.s32 $0xFFFFFFFF  }
0xb5: {  	_ =	strace $0x90000048  }
0xb6: {  	_ =	sfence  }
0xb7: {  	s30 =	sld [smem:$0x0];
	_ =	sdelay $0x2  }
0xb8: {  	s31 =	sshll.u32 s1, $0xD;
	s1 =	sshrl.u32 s1, $0x2  }
0xb9: {  	s3 =	sand.u32 $0x4000, s31;
	s1 =	sadd.s32 s1, s30  }
0xba: {  	s0 =	sor.u32 s3, s0;
	s1 =	sshll.u32 s1, $0x11  }
0xbb: {  	s0 =	sor.u32 s1, s0  }
0xbc: {  	s0 =	sadd.s32 $0x8F2B, s0  }
0xbd: {  	[sflag:s0] =	ssyncadd.remote.s32 $0x1  }
0xbe: {  	_ =	sfence.sel $0xFFFF  }
0xbf: {  	[dreg:$0x0] =	wrdreg $0xFFFFFFFF;
	(pc) =	sbr.abs _section_cstart, $3  }
0xc0: {  	[dreg:$0x1] =	wrdreg $0xFFFFFFFF  }
0xc1: {  	_ =	task.clear_ibuf [dreg:s7], $0x2FFFF;
	_ =	strace $0x9FFFFFFF  }
0xc2: {  	(tm) =	ssettm $0x7FFFFFFF  }
0xc3: {  	_ =	shalt  }
tec
execute0_lowered:
.L_overlay_start_1:
0x0: {  	(tag) =	ssettag $0x1  }
0x1: {  	s3 =	rddreg [dreg:$0x0]  }
0x2: {  	s4 =	rddreg [dreg:$0x1]  }
0x3: {  	s0 =	rddreg [dreg:$0x2]  }
0x4: {  	s5 =	srdreg.scid;
	s1 =	stileid.u32;
	v0 =	vimm.f32 $0.0e+00  }
0x5: {  	s2 =	simm.s32 $0x0;
	v1 =	vimm.f32 $1.000000000e+00;
	vm0 =	vcmask $0x2F20;
	vm1 =	vcmask $0xF00;
	s9 =	simm.s32 $0x1000;
	s10 =	simm.s32 $0x0  }
0x6: {  	vm2 =	vcmask $0x300;
	s5 =	sand.u32 $0x1, s5;
	s6 =	sshll.u32 s1, $0x8;
	s7 =	sshrl.u32 s1, $0x2;
	vm0 =	vmor vm1, vm0;
	vm1 =	vcmask $0xB08  }
0x7: {  	vm3 =	vcmask $0x1710;
	[smem:$0x7FF] =	sst s2;
	s8 =	sshll.u32 s5, $0x7;
	s6 =	sand.u32 $0x300, s6;
	vm1 =	vmor vm2, vm1;
	vm2 =	vcmask $0x1310  }
0x8: {  	vm4 =	vcmask $0x700;
	s30 =	sshll.u32 s7, $0xA;
	_ =	strace $0x80000047;
	s5 =	ssub.s32 $0x2, s5;
	vm1 =	vmor vm1, vm2;
	vm2 =	vcmask $0x1B18  }
0x9: {  	vm6 =	vcmask $0x3B38;
	s7 =	sshll.u32 s7, $0xF;
	s6 =	sor.u32 s8, s6;
	s31 =	sshrl.u32 s5, $0x1;
	vm1 =	vmor vm1, vm2;
	vm2 =	vcmask $0x2320  }
0xa: {  	vm3 =	vmor vm4, vm3;
	s8 =	sor.u32 s30, s6;
	s6 =	sor.u32 s7, s6;
	s5 =	ssub.s32 s5, s31;
	vm1 =	vmor vm1, vm2;
	vm2 =	vcmask $0x2B28  }
0xb: {  	vm4 =	vcmask $0x2720;
	s7 =	simm.s32 $0x400;
	s8 =	sshrl.u32 s8, $0x3;
	s6 =	sshrl.u32 s6, $0x3;
	vm1 =	vmor vm1, vm2;
	vm2 =	vcmask $0x3330  }
0xc: {  	vm3 =	vmor vm3, vm4;
	vm4 =	vcmask $0x3730;
	s5 =	smax.u32 s5, $0x1;
	s4 =	sadd.s32 s8, s4;
	s3 =	sadd.s32 s3, s6;
	vm5 =	vmor vm1, vm2  }
0xd: {  	s6 =	simm.s32 $0x80;
	s8 =	simm.s32 $0x1;
	s4 =	sadd.s32 $0x4C00, s4;
	vm1 =	vmor vm3, vm4;
	vm2 =	vmmov $0xff;
	vm3 =	vmor vm5, vm6  }
.LBB2_1:
0xe: {  	[tilespmem:s2], [sflag:$0x1] =	stream.strided.gather [hbm4b:s3+s6], $0x1000, s7, s6, $0x38;
	[tilespmem:$0x1100] =	vst v63  }
0xf: {  	_ =	swait.ge [sflag:s8], $0x1000  }
0x10: {  	[sflag:s8] =	ssyncset.done $0x0  }
0x11: {  	[sflag:s8] =	ssyncadd.s32 $0xFFFFF000  }
0x12: {  	[tilespmem:$0x1080] =	vst v0  }
0x13: {  	v2 =	vimm.s32 $0x0;
	v3 =	vimm.s32 $0x7F800000;
	s11 =	simm.s32 $0x0;
	[tilespmem:$0x10A0] =	vst v0  }
.LBB2_2:
0x14: {  	v4 =	vsub.s32 v3, v2;
	s13 =	simm.s32 $0x0  }
0x15: {  	v4 =	vshrl.u32 v4, $0x1;
	v6 =	vld [tilespmem:s13+$0x0]  }
0x16: {  	v5 =	vimm.f32 $0.0e+00;
	s12 =	simm.s32 $0x40;
	v4 =	vadd.s32 v2, v4  }
.LBB2_3:
0x17: {  	p0 =	sne.s32 s12, $0x3FC0  }
.Ltmp0:
0x18: {  	_ = 	snop;
	(pc) =	sbr.rel @p0 .LBB2_3-.Ltmp0, $4  }
0x19: {  	_ = 	snop  }
0x1a: {  	s13 =	sshra.s32 s12, $0x2;
	s12 =	sadd.s32 $0x40, s12;
	vm4 =	vlt.s32 v6, v4  }
0x1b: {  	v6 =	vld [tilespmem:s13+$0x0];
	v7 =	vsel vm4, $0x0, v1  }
0x1c: {  	v5 =	vadd.f32 v7, v5  }
0x1d: {  	_ =	sdelay $0x2  }
0x1e: {  	vm4 =	vlt.s32 v6, v4  }
0x1f: {  	v6 =	vsel vm4, $0x0, v1  }
0x20: {  	v5 =	vadd.f32 v6, v5;
	_ =	sdelay $0x1  }
0x21: {  	[tilespmem:$0x1090] =	vst v5  }
0x22: {  	v57 =	vld [tilespmem:$0x1098]  }
0x23: {  	v7 =	vld [tilespmem:$0x1088];
	_ =	sdelay $0x4  }
0x24: {  	v6 =	vsel vm2, v57, v7  }
0x25: {  	v5 =	vadd.f32 v6, v5;
	_ =	sdelay $0x1  }
0x26: {  	[tilespmem:$0x1090] =	vst v5  }
0x27: {  	v58 =	vld [tilespmem:$0x1094]  }
0x28: {  	v59 =	vld [tilespmem:$0x108C];
	_ =	sdelay $0x4  }
0x29: {  	v6 =	vsel vm0, v58, v59  }
0x2a: {  	v5 =	vadd.f32 v6, v5;
	_ =	sdelay $0x1  }
0x2b: {  	[tilespmem:$0x1090] =	vst v5  }
0x2c: {  	v60 =	vld [tilespmem:$0x1092]  }
0x2d: {  	v61 =	vld [tilespmem:$0x108E];
	_ =	sdelay $0x4  }
0x2e: {  	v6 =	vsel vm1, v60, v61  }
0x2f: {  	v5 =	vadd.f32 v6, v5;
	_ =	sdelay $0x1  }
0x30: {  	[tilespmem:$0x1090] =	vst v5  }
0x31: {  	v62 =	vld [tilespmem:$0x1091]  }
0x32: {  	v63 =	vld [tilespmem:$0x108F];
	_ =	sdelay $0x2  }
0x33: {  	s11 =	sadd.s32 $0x1, s11  }
0x34: {  	p0 =	sne.s32 s11, $0x1F  }
.Ltmp1:
0x35: {  	v6 =	vsel vm3, v62, v63;
	(pc) =	sbr.rel @p0 .LBB2_2-.Ltmp1, $3  }
0x36: {  	v5 =	vadd.f32 v6, v5;
	_ =	sdelay $0x1  }
0x37: {  	vm4 =	vge.f32 v5, $1.024000000e+03  }
0x38: {  	v2 =	vsel vm4, v4, v2;
	v3 =	vsel vm4, v3, v4  }
0x39: {  	s10 =	sadd.s32 $0x1, s10  }
0x3a: {  	p0 =	sne.s32 s10, s5  }
.Ltmp2:
0x3b: {  	[tilespmem:$0x1000] =	vst v2;
	(pc) =	sbr.rel @p0 .LBB2_1-.Ltmp2, $4  }
0x3c: {  	[hbm4b:s4+s2] =	stream.linear.scatter [tilespmem:s9], [sflag:$0x1], $0x80, $0x38;
	[tilespmem:$0x1100] =	vst v63  }
0x3d: {  	_ =	swait.ge [sflag:s8], $0x80  }
0x3e: {  	[sflag:s8] =	ssyncset.done $0x0  }
0x3f: {  	[sflag:s8] =	ssyncadd.s32 $0xFFFFFF80  }
0x40: {  	_ =	sfence.sel $0x180000  }
0x41: {  	[bflag:$0x0] =	sbarrier.arrive $0xFFFF  }
0x42: {  	p0 =	sne.s32 s1, $0x0;
	_ =	strace $0x90000047  }
0x43: {  	s0 =	sadd.s32 @!p0 $0x100000, s0;
	[bflag:$0x2] =	sbarrier.arrive $0xFFFF  }
0x44: {  	[sflag:s0] =	ssyncadd.tile.s32 @!p0 $0x1;
	_ =	shalt  }
.Lfunc_end2:
_tile_overlayer_lowered:
.L_overlay_start_2:
0x45: {  	(tag) =	ssettag $0x2  }
0x46: {  	s0 =	rddreg [dreg:$0x0];
	s2 =	stileid.u32  }
0x47: {  	s1 =	rddreg [dreg:$0x1];
	p0 =	sne.s32 s2, $0x0  }
0x48: {  	s3 =	rddreg [dreg:$0x2];
	[bflag:$0x3] =	sbarrier.arrive $0xFFFF;
	s2 =	simm.s32 @!p0 $0x1C01  }
0x49: {  	[timem:s3], [sflag:s2] =	dma.local @!p0 [hbm:s0], s1  }
0x4a: {  	s0 =	simm.s32 @!p0 $0x1  }
0x4b: {  	_ =	swait.ge @!p0 [sflag:s0], s1  }
0x4c: {  	s1 =	ssub.s32 @!p0 $0x0, s1;
	[sflag:s0] =	ssyncset.done @!p0 $0x0  }
0x4d: {  	[sflag:s0] =	ssyncadd.s32 @!p0 s1  }
0x4e: {  	[bflag:$0x3] =	sbarrier.arrive $0xFFFF  }
0x4f: {  	_ =	shalt  }

</sc_bundles>
